<compile_context>
chip_gen: v7x
topology: tpu7x:2x2x1
jax: 0.10.2.dev20260603
libtpu: 0.0.44.dev20260713+nightly
codegen_flags: <defaults>
</compile_context>

<pallas_src>
import functools

import jax
import jax.numpy as jnp
from jax import lax
from jax.experimental import pallas as pl
from jax.experimental.pallas import tpu as pltpu
from jax.experimental.pallas import tpu_sc as plsc

VOCAB = 100000
D = 128

_info = plsc.get_sparse_core_info()
NC, NS = _info.num_cores, _info.num_subcores
NW = NC * NS

B = 1024 * 200
B_PER_W = B // NW
CHUNK = 128
N_CHUNKS = B_PER_W // CHUNK
NBUF = 5
GROUPS = N_CHUNKS // NBUF


def _emb_kernel(idx_hbm, table_hbm, out_hbm, idx_v, bufs, sem_in, sem_out):
    wid = lax.axis_index("s") * NC + lax.axis_index("c")
    base = wid * B_PER_W
    pltpu.sync_copy(idx_hbm.at[pl.ds(base, B_PER_W)], idx_v)

    def body(g, carry):
        del carry
        handles = []
        for b in range(NBUF):
            i = g * NBUF + b
            @pl.when(g > 0)
            def _(b=b):
                pltpu.make_async_copy(
                    bufs[b], out_hbm.at[pl.ds(base, CHUNK)], sem_out[b]
                ).wait()
            handles.append(
                pltpu.async_copy(
                    table_hbm.at[idx_v.at[pl.ds(i * CHUNK, CHUNK)]],
                    bufs[b], sem_in[b])
            )
        for b in range(NBUF):
            i = g * NBUF + b
            handles[b].wait()
            pltpu.async_copy(
                bufs[b], out_hbm.at[pl.ds(base + i * CHUNK, CHUNK)], sem_out[b]
            )
        return 0

    lax.fori_loop(0, GROUPS, body, 0)
    for b in range(NBUF):
        pltpu.make_async_copy(
            bufs[b], out_hbm.at[pl.ds(base, CHUNK)], sem_out[b]
        ).wait()


@functools.partial(
    pl.kernel,
    mesh=plsc.VectorSubcoreMesh(core_axis_name="c", subcore_axis_name="s"),
    out_type=jax.ShapeDtypeStruct((B, D), jnp.float32),
    scratch_types=(
        [pltpu.VMEM((B_PER_W,), jnp.int32)]
        + [pltpu.VMEM((CHUNK, D), jnp.float32) for _ in range(NBUF)]
        + [pltpu.SemaphoreType.DMA for _ in range(2 * NBUF)]
    ),
)
def _emb_call(idx_hbm, table_hbm, out_hbm, idx_v, *rest):
    bufs = rest[:NBUF]
    sem_in = rest[NBUF:2 * NBUF]
    sem_out = rest[2 * NBUF:]
    _emb_kernel(idx_hbm, table_hbm, out_hbm, idx_v, bufs, sem_in, sem_out)


def kernel(token_ids, weight):
    shp = token_ids.shape
    flat = token_ids.reshape(B).astype(jnp.int32)
    out = _emb_call(flat, weight)
    return out.reshape(*shp, D)

# --- scband reference (transcript-rebuilt; emitter-appended) ---
"""Pipeline reference for scband-embedding-24412594110763 (READ-ONLY COPY).

The authoritative reference and input builder live on the scoring server;
editing this copy changes nothing except your own understanding.
"""

import jax, jax.numpy as jnp
import numpy as np
import math

VOCAB_SIZE = 100000
D_MODEL = 128

def setup_inputs(seed: int = 0) -> dict:
    key = jax.random.key(seed)
    k_idx, k_w = jax.random.split(key)
    token_ids = jax.random.randint(k_idx, (1024, 200), 0, VOCAB_SIZE, dtype=jnp.int64 if jax.config.jax_enable_x64 else jnp.int32)
    weight = jax.random.normal(k_w, (VOCAB_SIZE, D_MODEL), dtype=jnp.float32) * math.sqrt(1.0 / D_MODEL)
    return {"token_ids": token_ids, "weight": weight}

def reference(token_ids, weight):
    # Faithful translation of Embedding.forward: self.weight[token_ids]
    return jnp.take(weight, token_ids, axis=0)

if __name__ == "__main__":
    import jax
    _d = setup_inputs()
    print(jax.jit(kernel)(*tuple(_d.values())))

</pallas_src>

<mosaic_0001>
#map = affine_map<(d0, d1) -> (0)>
#map1 = affine_map<(d0, d1) -> (0, 0)>
module attributes {stable_mosaic.version = 14 : i64} {
  func.func @_emb_call(%arg0: i32, %arg1: i32, %arg2: memref<204800xi32, #tpu.memory_space<hbm>>, %arg3: memref<100000x128xf32, #tpu.memory_space<hbm>>, %arg4: memref<204800x128xf32, #tpu.memory_space<hbm>>, %arg5: memref<6400xi32, #tpu.memory_space<vmem>>, %arg6: memref<128x128xf32, #tpu.memory_space<vmem>>, %arg7: memref<128x128xf32, #tpu.memory_space<vmem>>, %arg8: memref<128x128xf32, #tpu.memory_space<vmem>>, %arg9: memref<128x128xf32, #tpu.memory_space<vmem>>, %arg10: memref<128x128xf32, #tpu.memory_space<vmem>>, %arg11: memref<!tpu.dma_semaphore, #tpu.memory_space<semaphore_mem>>, %arg12: memref<!tpu.dma_semaphore, #tpu.memory_space<semaphore_mem>>, %arg13: memref<!tpu.dma_semaphore, #tpu.memory_space<semaphore_mem>>, %arg14: memref<!tpu.dma_semaphore, #tpu.memory_space<semaphore_mem>>, %arg15: memref<!tpu.dma_semaphore, #tpu.memory_space<semaphore_mem>>, %arg16: memref<!tpu.dma_semaphore, #tpu.memory_space<semaphore_mem>>, %arg17: memref<!tpu.dma_semaphore, #tpu.memory_space<semaphore_mem>>, %arg18: memref<!tpu.dma_semaphore, #tpu.memory_space<semaphore_mem>>, %arg19: memref<!tpu.dma_semaphore, #tpu.memory_space<semaphore_mem>>, %arg20: memref<!tpu.dma_semaphore, #tpu.memory_space<semaphore_mem>>) attributes {dimension_semantics = [#tpu.dimension_semantics<core_parallel>, #tpu.dimension_semantics<subcore_parallel>], iteration_bounds = array<i64: 2, 16>, scalar_prefetch = 0 : i64, scratch_operands = 16 : i64, tpu.core_type = #tpu.core_type<sc_vector_subcore>, window_params = [{transform_indices = #map}, {transform_indices = #map1}, {transform_indices = #map1}]} {
    %mul3A = arith.constant 2 : i32
    %mul3A_0 = arith.muli %arg1, %mul3A : i32
    %add3A = arith.addi %mul3A_0, %arg0 : i32
    %mul3A_1 = arith.constant 6400 : i32
    %mul3A_2 = arith.muli %add3A, %mul3A_1 : i32
    "tpu.region"() ({
      %run_scoped3A = tpu.sem_alloc : memref<!tpu.dma_semaphore, #tpu.memory_space<semaphore_mem>>
      %dma_start3A = tpu.memref_slice %arg2[%mul3A_2] : memref<204800xi32, #tpu.memory_space<hbm>> -> memref<6400xi32, #tpu.memory_space<hbm>>
      %dma_start3A_28 = tpu.memref_slice %arg2[%mul3A_2] : memref<204800xi32, #tpu.memory_space<hbm>> -> memref<6400xi32, #tpu.memory_space<hbm>>
      tpu.enqueue_dma source(%dma_start3A_28 : memref<6400xi32, #tpu.memory_space<hbm>>) target(%arg5 : memref<6400xi32, #tpu.memory_space<vmem>>) target_semaphore(%run_scoped3A : memref<!tpu.dma_semaphore, #tpu.memory_space<semaphore_mem>>)
      %dma_wait3A_29 = tpu.memref_slice %arg2[%mul3A_2] : memref<204800xi32, #tpu.memory_space<hbm>> -> memref<6400xi32, #tpu.memory_space<hbm>>
      %dma_wait3A_30 = tpu.memref_slice %arg2[%mul3A_2] : memref<204800xi32, #tpu.memory_space<hbm>> -> memref<6400xi32, #tpu.memory_space<hbm>>
      tpu.wait_dma2 semaphore(%run_scoped3A : memref<!tpu.dma_semaphore, #tpu.memory_space<semaphore_mem>>) src(%dma_wait3A_30 : memref<6400xi32, #tpu.memory_space<hbm>>) dst(%arg5 : memref<6400xi32, #tpu.memory_space<vmem>>)
      tpu.yield
    }) : () -> ()
    %scan3A = arith.constant 0 : i32
    %scan3A_3 = arith.constant 0 : i32
    %scan3A_4 = arith.constant 10 : i32
    %scan3A_5 = arith.addi %scan3A_3, %scan3A_4 : i32
    %scan3A_6 = arith.constant 1 : i32
    %scan3A_7 = scf.for %scan3A_28 = %scan3A_3 to %scan3A_5 step %scan3A_6 iter_args(%scan3A_29 = %scan3A) -> (i32)  : i32 {
      %mul3A_30 = arith.constant 5 : i32
      %mul3A_31 = arith.muli %scan3A_28, %mul3A_30 : i32
      %add3A_32 = arith.constant 0 : i32
      %add3A_33 = arith.addi %mul3A_31, %add3A_32 : i32
      %gt3A = arith.constant 0 : i32
      %gt3A_34 = arith.cmpi sgt, %scan3A_28, %gt3A : i32
      %convert_element_type3A = arith.extui %gt3A_34 : i1 to i32
      %cond3A = arith.constant 0 : i32
      %cond3A_35 = arith.cmpi ne, %convert_element_type3A, %cond3A : i32
      scf.if %cond3A_35 {
        %dma_wait3A_177 = arith.constant 0 : i32
        %dma_wait3A_178 = tpu.memref_slice %arg4[%mul3A_2, %dma_wait3A_177] : memref<204800x128xf32, #tpu.memory_space<hbm>> -> memref<128x128xf32, #tpu.memory_space<hbm>>
        %dma_wait3A_179 = arith.constant 0 : i32
        %dma_wait3A_180 = tpu.memref_slice %arg4[%mul3A_2, %dma_wait3A_179] : memref<204800x128xf32, #tpu.memory_space<hbm>> -> memref<128x128xf32, #tpu.memory_space<hbm>>
        tpu.wait_dma2 semaphore(%arg16 : memref<!tpu.dma_semaphore, #tpu.memory_space<semaphore_mem>>) src(%arg6 : memref<128x128xf32, #tpu.memory_space<vmem>>) dst(%dma_wait3A_180 : memref<128x128xf32, #tpu.memory_space<hbm>>)
      } else {
      }
      %mul3A_36 = arith.constant 128 : i32
      %mul3A_37 = arith.muli %add3A_33, %mul3A_36 : i32
      %dma_start3A = tpu.memref_slice %arg5[%mul3A_37] : memref<6400xi32, #tpu.memory_space<vmem>> -> memref<128xi32, #tpu.memory_space<vmem>>
      %dma_start3A_38 = arith.constant 0 : i32
      %dma_start3A_39 = arith.constant 0 : i32
      %dma_start3A_40 = tpu.memref_slice %arg3[%dma_start3A_38, %dma_start3A_39] : memref<100000x128xf32, #tpu.memory_space<hbm>> -> memref<100000x128xf32, #tpu.memory_space<hbm>>
      tpu.enqueue_indirect_dma source(%dma_start3A_40 : memref<100000x128xf32, #tpu.memory_space<hbm>>) target(%arg6 : memref<128x128xf32, #tpu.memory_space<vmem>>) offsets(%dma_start3A : memref<128xi32, #tpu.memory_space<vmem>>) semaphore(%arg11 : memref<!tpu.dma_semaphore, #tpu.memory_space<semaphore_mem>>)
      %mul3A_41 = arith.constant 5 : i32
      %mul3A_42 = arith.muli %scan3A_28, %mul3A_41 : i32
      %add3A_43 = arith.constant 1 : i32
      %add3A_44 = arith.addi %mul3A_42, %add3A_43 : i32
      %gt3A_45 = arith.constant 0 : i32
      %gt3A_46 = arith.cmpi sgt, %scan3A_28, %gt3A_45 : i32
      %convert_element_type3A_47 = arith.extui %gt3A_46 : i1 to i32
      %cond3A_48 = arith.constant 0 : i32
      %cond3A_49 = arith.cmpi ne, %convert_element_type3A_47, %cond3A_48 : i32
      scf.if %cond3A_49 {
        %dma_wait3A_177 = arith.constant 0 : i32
        %dma_wait3A_178 = tpu.memref_slice %arg4[%mul3A_2, %dma_wait3A_177] : memref<204800x128xf32, #tpu.memory_space<hbm>> -> memref<128x128xf32, #tpu.memory_space<hbm>>
        %dma_wait3A_179 = arith.constant 0 : i32
        %dma_wait3A_180 = tpu.memref_slice %arg4[%mul3A_2, %dma_wait3A_179] : memref<204800x128xf32, #tpu.memory_space<hbm>> -> memref<128x128xf32, #tpu.memory_space<hbm>>
        tpu.wait_dma2 semaphore(%arg17 : memref<!tpu.dma_semaphore, #tpu.memory_space<semaphore_mem>>) src(%arg7 : memref<128x128xf32, #tpu.memory_space<vmem>>) dst(%dma_wait3A_180 : memref<128x128xf32, #tpu.memory_space<hbm>>)
      } else {
      }
      %mul3A_50 = arith.constant 128 : i32
      %mul3A_51 = arith.muli %add3A_44, %mul3A_50 : i32
      %dma_start3A_52 = tpu.memref_slice %arg5[%mul3A_51] : memref<6400xi32, #tpu.memory_space<vmem>> -> memref<128xi32, #tpu.memory_space<vmem>>
      %dma_start3A_53 = arith.constant 0 : i32
      %dma_start3A_54 = arith.constant 0 : i32
      %dma_start3A_55 = tpu.memref_slice %arg3[%dma_start3A_53, %dma_start3A_54] : memref<100000x128xf32, #tpu.memory_space<hbm>> -> memref<100000x128xf32, #tpu.memory_space<hbm>>
      tpu.enqueue_indirect_dma source(%dma_start3A_55 : memref<100000x128xf32, #tpu.memory_space<hbm>>) target(%arg7 : memref<128x128xf32, #tpu.memory_space<vmem>>) offsets(%dma_start3A_52 : memref<128xi32, #tpu.memory_space<vmem>>) semaphore(%arg12 : memref<!tpu.dma_semaphore, #tpu.memory_space<semaphore_mem>>)
      %mul3A_56 = arith.constant 5 : i32
      %mul3A_57 = arith.muli %scan3A_28, %mul3A_56 : i32
      %add3A_58 = arith.constant 2 : i32
      %add3A_59 = arith.addi %mul3A_57, %add3A_58 : i32
      %gt3A_60 = arith.constant 0 : i32
      %gt3A_61 = arith.cmpi sgt, %scan3A_28, %gt3A_60 : i32
      %convert_element_type3A_62 = arith.extui %gt3A_61 : i1 to i32
      %cond3A_63 = arith.constant 0 : i32
      %cond3A_64 = arith.cmpi ne, %convert_element_type3A_62, %cond3A_63 : i32
      scf.if %cond3A_64 {
        %dma_wait3A_177 = arith.constant 0 : i32
        %dma_wait3A_178 = tpu.memref_slice %arg4[%mul3A_2, %dma_wait3A_177] : memref<204800x128xf32, #tpu.memory_space<hbm>> -> memref<128x128xf32, #tpu.memory_space<hbm>>
        %dma_wait3A_179 = arith.constant 0 : i32
        %dma_wait3A_180 = tpu.memref_slice %arg4[%mul3A_2, %dma_wait3A_179] : memref<204800x128xf32, #tpu.memory_space<hbm>> -> memref<128x128xf32, #tpu.memory_space<hbm>>
        tpu.wait_dma2 semaphore(%arg18 : memref<!tpu.dma_semaphore, #tpu.memory_space<semaphore_mem>>) src(%arg8 : memref<128x128xf32, #tpu.memory_space<vmem>>) dst(%dma_wait3A_180 : memref<128x128xf32, #tpu.memory_space<hbm>>)
      } else {
      }
      %mul3A_65 = arith.constant 128 : i32
      %mul3A_66 = arith.muli %add3A_59, %mul3A_65 : i32
      %dma_start3A_67 = tpu.memref_slice %arg5[%mul3A_66] : memref<6400xi32, #tpu.memory_space<vmem>> -> memref<128xi32, #tpu.memory_space<vmem>>
      %dma_start3A_68 = arith.constant 0 : i32
      %dma_start3A_69 = arith.constant 0 : i32
      %dma_start3A_70 = tpu.memref_slice %arg3[%dma_start3A_68, %dma_start3A_69] : memref<100000x128xf32, #tpu.memory_space<hbm>> -> memref<100000x128xf32, #tpu.memory_space<hbm>>
      tpu.enqueue_indirect_dma source(%dma_start3A_70 : memref<100000x128xf32, #tpu.memory_space<hbm>>) target(%arg8 : memref<128x128xf32, #tpu.memory_space<vmem>>) offsets(%dma_start3A_67 : memref<128xi32, #tpu.memory_space<vmem>>) semaphore(%arg13 : memref<!tpu.dma_semaphore, #tpu.memory_space<semaphore_mem>>)
      %mul3A_71 = arith.constant 5 : i32
      %mul3A_72 = arith.muli %scan3A_28, %mul3A_71 : i32
      %add3A_73 = arith.constant 3 : i32
      %add3A_74 = arith.addi %mul3A_72, %add3A_73 : i32
      %gt3A_75 = arith.constant 0 : i32
      %gt3A_76 = arith.cmpi sgt, %scan3A_28, %gt3A_75 : i32
      %convert_element_type3A_77 = arith.extui %gt3A_76 : i1 to i32
      %cond3A_78 = arith.constant 0 : i32
      %cond3A_79 = arith.cmpi ne, %convert_element_type3A_77, %cond3A_78 : i32
      scf.if %cond3A_79 {
        %dma_wait3A_177 = arith.constant 0 : i32
        %dma_wait3A_178 = tpu.memref_slice %arg4[%mul3A_2, %dma_wait3A_177] : memref<204800x128xf32, #tpu.memory_space<hbm>> -> memref<128x128xf32, #tpu.memory_space<hbm>>
        %dma_wait3A_179 = arith.constant 0 : i32
        %dma_wait3A_180 = tpu.memref_slice %arg4[%mul3A_2, %dma_wait3A_179] : memref<204800x128xf32, #tpu.memory_space<hbm>> -> memref<128x128xf32, #tpu.memory_space<hbm>>
        tpu.wait_dma2 semaphore(%arg19 : memref<!tpu.dma_semaphore, #tpu.memory_space<semaphore_mem>>) src(%arg9 : memref<128x128xf32, #tpu.memory_space<vmem>>) dst(%dma_wait3A_180 : memref<128x128xf32, #tpu.memory_space<hbm>>)
      } else {
      }
      %mul3A_80 = arith.constant 128 : i32
      %mul3A_81 = arith.muli %add3A_74, %mul3A_80 : i32
      %dma_start3A_82 = tpu.memref_slice %arg5[%mul3A_81] : memref<6400xi32, #tpu.memory_space<vmem>> -> memref<128xi32, #tpu.memory_space<vmem>>
      %dma_start3A_83 = arith.constant 0 : i32
      %dma_start3A_84 = arith.constant 0 : i32
      %dma_start3A_85 = tpu.memref_slice %arg3[%dma_start3A_83, %dma_start3A_84] : memref<100000x128xf32, #tpu.memory_space<hbm>> -> memref<100000x128xf32, #tpu.memory_space<hbm>>
      tpu.enqueue_indirect_dma source(%dma_start3A_85 : memref<100000x128xf32, #tpu.memory_space<hbm>>) target(%arg9 : memref<128x128xf32, #tpu.memory_space<vmem>>) offsets(%dma_start3A_82 : memref<128xi32, #tpu.memory_space<vmem>>) semaphore(%arg14 : memref<!tpu.dma_semaphore, #tpu.memory_space<semaphore_mem>>)
      %mul3A_86 = arith.constant 5 : i32
      %mul3A_87 = arith.muli %scan3A_28, %mul3A_86 : i32
      %add3A_88 = arith.constant 4 : i32
      %add3A_89 = arith.addi %mul3A_87, %add3A_88 : i32
      %gt3A_90 = arith.constant 0 : i32
      %gt3A_91 = arith.cmpi sgt, %scan3A_28, %gt3A_90 : i32
      %convert_element_type3A_92 = arith.extui %gt3A_91 : i1 to i32
      %cond3A_93 = arith.constant 0 : i32
      %cond3A_94 = arith.cmpi ne, %convert_element_type3A_92, %cond3A_93 : i32
      scf.if %cond3A_94 {
        %dma_wait3A_177 = arith.constant 0 : i32
        %dma_wait3A_178 = tpu.memref_slice %arg4[%mul3A_2, %dma_wait3A_177] : memref<204800x128xf32, #tpu.memory_space<hbm>> -> memref<128x128xf32, #tpu.memory_space<hbm>>
        %dma_wait3A_179 = arith.constant 0 : i32
        %dma_wait3A_180 = tpu.memref_slice %arg4[%mul3A_2, %dma_wait3A_179] : memref<204800x128xf32, #tpu.memory_space<hbm>> -> memref<128x128xf32, #tpu.memory_space<hbm>>
        tpu.wait_dma2 semaphore(%arg20 : memref<!tpu.dma_semaphore, #tpu.memory_space<semaphore_mem>>) src(%arg10 : memref<128x128xf32, #tpu.memory_space<vmem>>) dst(%dma_wait3A_180 : memref<128x128xf32, #tpu.memory_space<hbm>>)
      } else {
      }
      %mul3A_95 = arith.constant 128 : i32
      %mul3A_96 = arith.muli %add3A_89, %mul3A_95 : i32
      %dma_start3A_97 = tpu.memref_slice %arg5[%mul3A_96] : memref<6400xi32, #tpu.memory_space<vmem>> -> memref<128xi32, #tpu.memory_space<vmem>>
      %dma_start3A_98 = arith.constant 0 : i32
      %dma_start3A_99 = arith.constant 0 : i32
      %dma_start3A_100 = tpu.memref_slice %arg3[%dma_start3A_98, %dma_start3A_99] : memref<100000x128xf32, #tpu.memory_space<hbm>> -> memref<100000x128xf32, #tpu.memory_space<hbm>>
      tpu.enqueue_indirect_dma source(%dma_start3A_100 : memref<100000x128xf32, #tpu.memory_space<hbm>>) target(%arg10 : memref<128x128xf32, #tpu.memory_space<vmem>>) offsets(%dma_start3A_97 : memref<128xi32, #tpu.memory_space<vmem>>) semaphore(%arg15 : memref<!tpu.dma_semaphore, #tpu.memory_space<semaphore_mem>>)
      %mul3A_101 = arith.constant 5 : i32
      %mul3A_102 = arith.muli %scan3A_28, %mul3A_101 : i32
      %add3A_103 = arith.constant 0 : i32
      %add3A_104 = arith.addi %mul3A_102, %add3A_103 : i32
      %dma_wait3A_105 = tpu.memref_slice %arg5[%mul3A_37] : memref<6400xi32, #tpu.memory_space<vmem>> -> memref<128xi32, #tpu.memory_space<vmem>>
      %dma_wait3A_106 = arith.constant 0 : i32
      %dma_wait3A_107 = arith.constant 0 : i32
      %dma_wait3A_108 = tpu.memref_slice %arg3[%dma_wait3A_106, %dma_wait3A_107] : memref<100000x128xf32, #tpu.memory_space<hbm>> -> memref<100000x128xf32, #tpu.memory_space<hbm>>
      tpu.wait_indirect_dma semaphore(%arg11 : memref<!tpu.dma_semaphore, #tpu.memory_space<semaphore_mem>>) src(%dma_wait3A_108 : memref<100000x128xf32, #tpu.memory_space<hbm>>) dst(%arg6 : memref<128x128xf32, #tpu.memory_space<vmem>>)
      %mul3A_109 = arith.constant 128 : i32
      %mul3A_110 = arith.muli %add3A_104, %mul3A_109 : i32
      %add3A_111 = arith.addi %mul3A_2, %mul3A_110 : i32
      %dma_start3A_112 = arith.constant 0 : i32
      %dma_start3A_113 = tpu.memref_slice %arg4[%add3A_111, %dma_start3A_112] : memref<204800x128xf32, #tpu.memory_space<hbm>> -> memref<128x128xf32, #tpu.memory_space<hbm>>
      %dma_start3A_114 = arith.constant 0 : i32
      %dma_start3A_115 = tpu.memref_slice %arg4[%add3A_111, %dma_start3A_114] : memref<204800x128xf32, #tpu.memory_space<hbm>> -> memref<128x128xf32, #tpu.memory_space<hbm>>
      tpu.enqueue_dma source(%arg6 : memref<128x128xf32, #tpu.memory_space<vmem>>) target(%dma_start3A_115 : memref<128x128xf32, #tpu.memory_space<hbm>>) target_semaphore(%arg16 : memref<!tpu.dma_semaphore, #tpu.memory_space<semaphore_mem>>)
      %mul3A_116 = arith.constant 5 : i32
      %mul3A_117 = arith.muli %scan3A_28, %mul3A_116 : i32
      %add3A_118 = arith.constant 1 : i32
      %add3A_119 = arith.addi %mul3A_117, %add3A_118 : i32
      %dma_wait3A_120 = tpu.memref_slice %arg5[%mul3A_51] : memref<6400xi32, #tpu.memory_space<vmem>> -> memref<128xi32, #tpu.memory_space<vmem>>
      %dma_wait3A_121 = arith.constant 0 : i32
      %dma_wait3A_122 = arith.constant 0 : i32
      %dma_wait3A_123 = tpu.memref_slice %arg3[%dma_wait3A_121, %dma_wait3A_122] : memref<100000x128xf32, #tpu.memory_space<hbm>> -> memref<100000x128xf32, #tpu.memory_space<hbm>>
      tpu.wait_indirect_dma semaphore(%arg12 : memref<!tpu.dma_semaphore, #tpu.memory_space<semaphore_mem>>) src(%dma_wait3A_123 : memref<100000x128xf32, #tpu.memory_space<hbm>>) dst(%arg7 : memref<128x128xf32, #tpu.memory_space<vmem>>)
      %mul3A_124 = arith.constant 128 : i32
      %mul3A_125 = arith.muli %add3A_119, %mul3A_124 : i32
      %add3A_126 = arith.addi %mul3A_2, %mul3A_125 : i32
      %dma_start3A_127 = arith.constant 0 : i32
      %dma_start3A_128 = tpu.memref_slice %arg4[%add3A_126, %dma_start3A_127] : memref<204800x128xf32, #tpu.memory_space<hbm>> -> memref<128x128xf32, #tpu.memory_space<hbm>>
      %dma_start3A_129 = arith.constant 0 : i32
      %dma_start3A_130 = tpu.memref_slice %arg4[%add3A_126, %dma_start3A_129] : memref<204800x128xf32, #tpu.memory_space<hbm>> -> memref<128x128xf32, #tpu.memory_space<hbm>>
      tpu.enqueue_dma source(%arg7 : memref<128x128xf32, #tpu.memory_space<vmem>>) target(%dma_start3A_130 : memref<128x128xf32, #tpu.memory_space<hbm>>) target_semaphore(%arg17 : memref<!tpu.dma_semaphore, #tpu.memory_space<semaphore_mem>>)
      %mul3A_131 = arith.constant 5 : i32
      %mul3A_132 = arith.muli %scan3A_28, %mul3A_131 : i32
      %add3A_133 = arith.constant 2 : i32
      %add3A_134 = arith.addi %mul3A_132, %add3A_133 : i32
      %dma_wait3A_135 = tpu.memref_slice %arg5[%mul3A_66] : memref<6400xi32, #tpu.memory_space<vmem>> -> memref<128xi32, #tpu.memory_space<vmem>>
      %dma_wait3A_136 = arith.constant 0 : i32
      %dma_wait3A_137 = arith.constant 0 : i32
      %dma_wait3A_138 = tpu.memref_slice %arg3[%dma_wait3A_136, %dma_wait3A_137] : memref<100000x128xf32, #tpu.memory_space<hbm>> -> memref<100000x128xf32, #tpu.memory_space<hbm>>
      tpu.wait_indirect_dma semaphore(%arg13 : memref<!tpu.dma_semaphore, #tpu.memory_space<semaphore_mem>>) src(%dma_wait3A_138 : memref<100000x128xf32, #tpu.memory_space<hbm>>) dst(%arg8 : memref<128x128xf32, #tpu.memory_space<vmem>>)
      %mul3A_139 = arith.constant 128 : i32
      %mul3A_140 = arith.muli %add3A_134, %mul3A_139 : i32
      %add3A_141 = arith.addi %mul3A_2, %mul3A_140 : i32
      %dma_start3A_142 = arith.constant 0 : i32
      %dma_start3A_143 = tpu.memref_slice %arg4[%add3A_141, %dma_start3A_142] : memref<204800x128xf32, #tpu.memory_space<hbm>> -> memref<128x128xf32, #tpu.memory_space<hbm>>
      %dma_start3A_144 = arith.constant 0 : i32
      %dma_start3A_145 = tpu.memref_slice %arg4[%add3A_141, %dma_start3A_144] : memref<204800x128xf32, #tpu.memory_space<hbm>> -> memref<128x128xf32, #tpu.memory_space<hbm>>
      tpu.enqueue_dma source(%arg8 : memref<128x128xf32, #tpu.memory_space<vmem>>) target(%dma_start3A_145 : memref<128x128xf32, #tpu.memory_space<hbm>>) target_semaphore(%arg18 : memref<!tpu.dma_semaphore, #tpu.memory_space<semaphore_mem>>)
      %mul3A_146 = arith.constant 5 : i32
      %mul3A_147 = arith.muli %scan3A_28, %mul3A_146 : i32
      %add3A_148 = arith.constant 3 : i32
      %add3A_149 = arith.addi %mul3A_147, %add3A_148 : i32
      %dma_wait3A_150 = tpu.memref_slice %arg5[%mul3A_81] : memref<6400xi32, #tpu.memory_space<vmem>> -> memref<128xi32, #tpu.memory_space<vmem>>
      %dma_wait3A_151 = arith.constant 0 : i32
      %dma_wait3A_152 = arith.constant 0 : i32
      %dma_wait3A_153 = tpu.memref_slice %arg3[%dma_wait3A_151, %dma_wait3A_152] : memref<100000x128xf32, #tpu.memory_space<hbm>> -> memref<100000x128xf32, #tpu.memory_space<hbm>>
      tpu.wait_indirect_dma semaphore(%arg14 : memref<!tpu.dma_semaphore, #tpu.memory_space<semaphore_mem>>) src(%dma_wait3A_153 : memref<100000x128xf32, #tpu.memory_space<hbm>>) dst(%arg9 : memref<128x128xf32, #tpu.memory_space<vmem>>)
      %mul3A_154 = arith.constant 128 : i32
      %mul3A_155 = arith.muli %add3A_149, %mul3A_154 : i32
      %add3A_156 = arith.addi %mul3A_2, %mul3A_155 : i32
      %dma_start3A_157 = arith.constant 0 : i32
      %dma_start3A_158 = tpu.memref_slice %arg4[%add3A_156, %dma_start3A_157] : memref<204800x128xf32, #tpu.memory_space<hbm>> -> memref<128x128xf32, #tpu.memory_space<hbm>>
      %dma_start3A_159 = arith.constant 0 : i32
      %dma_start3A_160 = tpu.memref_slice %arg4[%add3A_156, %dma_start3A_159] : memref<204800x128xf32, #tpu.memory_space<hbm>> -> memref<128x128xf32, #tpu.memory_space<hbm>>
      tpu.enqueue_dma source(%arg9 : memref<128x128xf32, #tpu.memory_space<vmem>>) target(%dma_start3A_160 : memref<128x128xf32, #tpu.memory_space<hbm>>) target_semaphore(%arg19 : memref<!tpu.dma_semaphore, #tpu.memory_space<semaphore_mem>>)
      %mul3A_161 = arith.constant 5 : i32
      %mul3A_162 = arith.muli %scan3A_28, %mul3A_161 : i32
      %add3A_163 = arith.constant 4 : i32
      %add3A_164 = arith.addi %mul3A_162, %add3A_163 : i32
      %dma_wait3A_165 = tpu.memref_slice %arg5[%mul3A_96] : memref<6400xi32, #tpu.memory_space<vmem>> -> memref<128xi32, #tpu.memory_space<vmem>>
      %dma_wait3A_166 = arith.constant 0 : i32
      %dma_wait3A_167 = arith.constant 0 : i32
      %dma_wait3A_168 = tpu.memref_slice %arg3[%dma_wait3A_166, %dma_wait3A_167] : memref<100000x128xf32, #tpu.memory_space<hbm>> -> memref<100000x128xf32, #tpu.memory_space<hbm>>
      tpu.wait_indirect_dma semaphore(%arg15 : memref<!tpu.dma_semaphore, #tpu.memory_space<semaphore_mem>>) src(%dma_wait3A_168 : memref<100000x128xf32, #tpu.memory_space<hbm>>) dst(%arg10 : memref<128x128xf32, #tpu.memory_space<vmem>>)
      %mul3A_169 = arith.constant 128 : i32
      %mul3A_170 = arith.muli %add3A_164, %mul3A_169 : i32
      %add3A_171 = arith.addi %mul3A_2, %mul3A_170 : i32
      %dma_start3A_172 = arith.constant 0 : i32
      %dma_start3A_173 = tpu.memref_slice %arg4[%add3A_171, %dma_start3A_172] : memref<204800x128xf32, #tpu.memory_space<hbm>> -> memref<128x128xf32, #tpu.memory_space<hbm>>
      %dma_start3A_174 = arith.constant 0 : i32
      %dma_start3A_175 = tpu.memref_slice %arg4[%add3A_171, %dma_start3A_174] : memref<204800x128xf32, #tpu.memory_space<hbm>> -> memref<128x128xf32, #tpu.memory_space<hbm>>
      tpu.enqueue_dma source(%arg10 : memref<128x128xf32, #tpu.memory_space<vmem>>) target(%dma_start3A_175 : memref<128x128xf32, #tpu.memory_space<hbm>>) target_semaphore(%arg20 : memref<!tpu.dma_semaphore, #tpu.memory_space<semaphore_mem>>)
      %scan3A_176 = arith.constant 0 : i32
      scf.yield %scan3A_176 : i32
    }
    %scan3A_8 = arith.constant 10 : i32
    %dma_wait3A = arith.constant 0 : i32
    %dma_wait3A_9 = tpu.memref_slice %arg4[%mul3A_2, %dma_wait3A] : memref<204800x128xf32, #tpu.memory_space<hbm>> -> memref<128x128xf32, #tpu.memory_space<hbm>>
    %dma_wait3A_10 = arith.constant 0 : i32
    %dma_wait3A_11 = tpu.memref_slice %arg4[%mul3A_2, %dma_wait3A_10] : memref<204800x128xf32, #tpu.memory_space<hbm>> -> memref<128x128xf32, #tpu.memory_space<hbm>>
    tpu.wait_dma2 semaphore(%arg16 : memref<!tpu.dma_semaphore, #tpu.memory_space<semaphore_mem>>) src(%arg6 : memref<128x128xf32, #tpu.memory_space<vmem>>) dst(%dma_wait3A_11 : memref<128x128xf32, #tpu.memory_space<hbm>>)
    %dma_wait3A_12 = arith.constant 0 : i32
    %dma_wait3A_13 = tpu.memref_slice %arg4[%mul3A_2, %dma_wait3A_12] : memref<204800x128xf32, #tpu.memory_space<hbm>> -> memref<128x128xf32, #tpu.memory_space<hbm>>
    %dma_wait3A_14 = arith.constant 0 : i32
    %dma_wait3A_15 = tpu.memref_slice %arg4[%mul3A_2, %dma_wait3A_14] : memref<204800x128xf32, #tpu.memory_space<hbm>> -> memref<128x128xf32, #tpu.memory_space<hbm>>
    tpu.wait_dma2 semaphore(%arg17 : memref<!tpu.dma_semaphore, #tpu.memory_space<semaphore_mem>>) src(%arg7 : memref<128x128xf32, #tpu.memory_space<vmem>>) dst(%dma_wait3A_15 : memref<128x128xf32, #tpu.memory_space<hbm>>)
    %dma_wait3A_16 = arith.constant 0 : i32
    %dma_wait3A_17 = tpu.memref_slice %arg4[%mul3A_2, %dma_wait3A_16] : memref<204800x128xf32, #tpu.memory_space<hbm>> -> memref<128x128xf32, #tpu.memory_space<hbm>>
    %dma_wait3A_18 = arith.constant 0 : i32
    %dma_wait3A_19 = tpu.memref_slice %arg4[%mul3A_2, %dma_wait3A_18] : memref<204800x128xf32, #tpu.memory_space<hbm>> -> memref<128x128xf32, #tpu.memory_space<hbm>>
    tpu.wait_dma2 semaphore(%arg18 : memref<!tpu.dma_semaphore, #tpu.memory_space<semaphore_mem>>) src(%arg8 : memref<128x128xf32, #tpu.memory_space<vmem>>) dst(%dma_wait3A_19 : memref<128x128xf32, #tpu.memory_space<hbm>>)
    %dma_wait3A_20 = arith.constant 0 : i32
    %dma_wait3A_21 = tpu.memref_slice %arg4[%mul3A_2, %dma_wait3A_20] : memref<204800x128xf32, #tpu.memory_space<hbm>> -> memref<128x128xf32, #tpu.memory_space<hbm>>
    %dma_wait3A_22 = arith.constant 0 : i32
    %dma_wait3A_23 = tpu.memref_slice %arg4[%mul3A_2, %dma_wait3A_22] : memref<204800x128xf32, #tpu.memory_space<hbm>> -> memref<128x128xf32, #tpu.memory_space<hbm>>
    tpu.wait_dma2 semaphore(%arg19 : memref<!tpu.dma_semaphore, #tpu.memory_space<semaphore_mem>>) src(%arg9 : memref<128x128xf32, #tpu.memory_space<vmem>>) dst(%dma_wait3A_23 : memref<128x128xf32, #tpu.memory_space<hbm>>)
    %dma_wait3A_24 = arith.constant 0 : i32
    %dma_wait3A_25 = tpu.memref_slice %arg4[%mul3A_2, %dma_wait3A_24] : memref<204800x128xf32, #tpu.memory_space<hbm>> -> memref<128x128xf32, #tpu.memory_space<hbm>>
    %dma_wait3A_26 = arith.constant 0 : i32
    %dma_wait3A_27 = tpu.memref_slice %arg4[%mul3A_2, %dma_wait3A_26] : memref<204800x128xf32, #tpu.memory_space<hbm>> -> memref<128x128xf32, #tpu.memory_space<hbm>>
    tpu.wait_dma2 semaphore(%arg20 : memref<!tpu.dma_semaphore, #tpu.memory_space<semaphore_mem>>) src(%arg10 : memref<128x128xf32, #tpu.memory_space<vmem>>) dst(%dma_wait3A_27 : memref<128x128xf32, #tpu.memory_space<hbm>>)
    return
  }
}

</mosaic_0001>

<sc_bundles>
// kernel: kernel.3.cloned.1.call-start
scs
__scs_entry_jumppad:
0x0: {  	(pc) =	sbr.rel $0x88, $3  }
0x1: {  	(tag) =	ssettag $0x0;
	lr =	simm.s32 $0x1  }
0x2: {  	[smem:$0x3F9F] =	sst lr;
	_ =	strace $0xD0000000  }
0x3: {  	_ = 	snop  }
0x4: {  	_ = 	snop  }
0x5: {  	_ = 	snop  }
0x6: {  	_ = 	snop  }
0x7: {  	_ = 	snop  }
__scs_overlays_trampoline_lowered:
0x8: {  	[smem:$0x3FAE] =	sst s0  }
0x9: {  	[smem:$0x3FAF] =	sst s1  }
0xa: {  	[smem:$0x3FB0] =	sst s2  }
0xb: {  	[smem:$0x3FB1] =	sst s3  }
0xc: {  	[smem:$0x3FB2] =	sst s4  }
0xd: {  	[smem:$0x3FB3] =	sst s5  }
0xe: {  	[smem:$0x3FB4] =	sst s6  }
0xf: {  	[smem:$0x3FB5] =	sst s7  }
0x10: {  	[smem:$0x3FB6] =	sst s8  }
0x11: {  	[smem:$0x3FB7] =	sst s9;
	s0 =	simm.s32 @!p0 $0x0  }
0x12: {  	s1 =	sld [smem:$0x3F9D];
	s0 =	simm.s32 @p0 $0x1  }
0x13: {  	[smem:$0x3FB8] =	sst s0;
	s0 =	simm.s32 @!p1 $0x0  }
0x14: {  	s2 =	sld [smem:$0x3F9C];
	s0 =	simm.s32 @p1 $0x1  }
0x15: {  	[smem:$0x3FB9] =	sst s0;
	s0 =	simm.s32 @!p2 $0x0  }
0x16: {  	s3 =	sld [smem:$0x3FDB];
	s0 =	simm.s32 @p2 $0x1  }
0x17: {  	s4 =	simm.s32 $0x1BF5;
	[smem:$0x3FBB] =	sst s0  }
0x18: {  	s0 =	sld [smem:$0x3F9E];
	_ =	swait.ge [sflag:s4], $0x0  }
0x19: {  	s7 =	sld [smem:$0x3F9F]  }
0x1a: {  	s8 =	sadd.s32 $0xFFFFE003, lr  }
0x1b: {  	s9 =	sadd.s32 $0xFFFFFEF7, lr;
	s5 =	simm.s32 $0xFFFFFFFF;
	p2 =	slt.u32 s8, $0xFFFFF086  }
0x1c: {  	p1 =	slt.u32 s9, $0xF7A;
	s5 =	simm.s32 @!p2 $0x0  }
0x1d: {  	s5 =	simm.s32 @p1 $0x1;
	p0 =	seq.s32 s7, s2  }
0x1e: {  	s7 =	smul.u32 @!p0 $0xF7A, s2;
	p2 =	seq.s32 @!p0 s5, $0x0  }
0x1f: {  	s9 =	smul.u32 $0xF7A, s1;
	s8 =	simm.s32 @!p0 $0x1BF5;
	p2 =	por !p2, p0  }
0x20: {  	[sflag:s8] =	ssyncset.s32 @!p0 $0xFFFFF086;
	s6 =	sadd.s32 @!p0 s3, s7;
	s7 =	simm.s32 @!p0 $0x108  }
0x21: {  	s3 =	sadd.s32 s3, s9;
	s6 =	sadd.s32 @!p0 $0x88, s6;
	s7 =	simm.s32 @p2 $0x1082  }
0x22: {  	[simem:s7], [sflag:s8] =	dma.local @!p0 [hbm:s6], $0xF7A  }
0x23: {  	s9 =	sor.u32 $0xD0000000, s2;
	s6 =	simm.s32 $0x108;
	_ =	swait.ge @!p0 [sflag:s8], $0x0  }
0x24: {  	s3 =	sadd.s32 $0x88, s3;
	s6 =	simm.s32 @!p1 $0x1082;
	[sflag:s4] =	ssyncset.s32 $0xFFFFF086  }
0x25: {  	[simem:s6], [sflag:s4] =	dma.local [hbm:s3], $0xF7A  }
0x26: {  	[smem:$0x3F9F] =	sst s1;
	(tag) =	ssettag s2;
	_ =	strace s9  }
0x27: {  	s1 =	sld [smem:$0x3FAF]  }
0x28: {  	s2 =	sld [smem:$0x3FB0]  }
0x29: {  	s4 =	sld [smem:$0x3FB2]  }
0x2a: {  	p0 =	seq.s32 s5, $0x0;
	s5 =	sld [smem:$0x3FB3]  }
0x2b: {  	s6 =	sld [smem:$0x3FB4]  }
0x2c: {  	s7 =	sld [smem:$0x3FB5]  }
0x2d: {  	s3 =	simm.s32 $0x108;
	s8 =	sld [smem:$0x3FB6]  }
0x2e: {  	s3 =	simm.s32 @!p0 $0x1082;
	s9 =	sld [smem:$0x3FB7]  }
0x2f: {  	lr =	sadd.s32 s0, s3;
	s0 =	sld [smem:$0x3FAE]  }
0x30: {  	s3 =	sld [smem:$0x3FB1]  }
0x31: {  	[smem:$0x3FBA] =	sst s10  }
0x32: {  	s10 =	sld [smem:$0x3FB8];
	_ =	sdelay $0x3  }
0x33: {  	p0 =	seq.s32 s10, $0x1;
	s10 =	sld [smem:$0x3FBA];
	_ =	sdelay $0x3  }
0x34: {  	[smem:$0x3FBA] =	sst s10  }
0x35: {  	s10 =	sld [smem:$0x3FB9];
	_ =	sdelay $0x3  }
0x36: {  	p1 =	seq.s32 s10, $0x1;
	s10 =	sld [smem:$0x3FBA];
	_ =	sdelay $0x3  }
0x37: {  	[smem:$0x3FBA] =	sst s10  }
0x38: {  	s10 =	sld [smem:$0x3FBB]  }
0x39: {  	_ = 	snop;
	(pc) =	sbr.ind lr, $3  }
0x3a: {  	_ = 	snop  }
0x3b: {  	_ = 	snop  }
0x3c: {  	p2 =	seq.s32 s10, $0x1;
	s10 =	sld [smem:$0x3FBA]  }
0x3d: {  	_ =	shalt  }
0x3e: {  	_ =	shalt  }
0x3f: {  	_ =	shalt  }
0x40: {  	_ =	shalt  }
0x41: {  	_ =	shalt  }
0x42: {  	_ =	shalt  }
0x43: {  	_ =	shalt  }
0x44: {  	_ =	shalt  }
0x45: {  	_ =	shalt  }
0x46: {  	_ =	shalt  }
0x47: {  	_ =	shalt  }
0x48: {  	_ =	shalt  }
0x49: {  	_ =	shalt  }
0x4a: {  	_ =	shalt  }
0x4b: {  	_ =	shalt  }
0x4c: {  	_ =	shalt  }
0x4d: {  	_ =	shalt  }
0x4e: {  	_ =	shalt  }
0x4f: {  	_ =	shalt  }
0x50: {  	_ =	shalt  }
0x51: {  	_ =	shalt  }
0x52: {  	_ =	shalt  }
0x53: {  	_ =	shalt  }
0x54: {  	_ =	shalt  }
0x55: {  	_ =	shalt  }
0x56: {  	_ =	shalt  }
0x57: {  	_ =	shalt  }
0x58: {  	_ =	shalt  }
0x59: {  	_ =	shalt  }
0x5a: {  	_ =	shalt  }
0x5b: {  	_ =	shalt  }
0x5c: {  	_ =	shalt  }
0x5d: {  	_ =	shalt  }
0x5e: {  	_ =	shalt  }
0x5f: {  	_ =	shalt  }
0x60: {  	_ =	shalt  }
0x61: {  	_ =	shalt  }
0x62: {  	_ =	shalt  }
0x63: {  	_ =	shalt  }
0x64: {  	_ =	shalt  }
0x65: {  	_ =	shalt  }
0x66: {  	_ =	shalt  }
0x67: {  	_ =	shalt  }
0x68: {  	_ =	shalt  }
0x69: {  	_ =	shalt  }
0x6a: {  	_ =	shalt  }
0x6b: {  	_ =	shalt  }
0x6c: {  	_ =	shalt  }
0x6d: {  	_ =	shalt  }
0x6e: {  	_ =	shalt  }
0x6f: {  	_ =	shalt  }
0x70: {  	_ =	shalt  }
0x71: {  	_ =	shalt  }
0x72: {  	_ =	shalt  }
0x73: {  	_ =	shalt  }
0x74: {  	_ =	shalt  }
0x75: {  	_ =	shalt  }
0x76: {  	_ =	shalt  }
0x77: {  	_ =	shalt  }
0x78: {  	_ =	shalt  }
0x79: {  	_ =	shalt  }
0x7a: {  	_ =	shalt  }
0x7b: {  	_ =	shalt  }
0x7c: {  	_ =	shalt  }
0x7d: {  	_ =	shalt  }
0x7e: {  	_ =	shalt  }
0x7f: {  	_ =	shalt  }
0x80: {  	_ =	shalt  }
0x81: {  	_ =	shalt  }
0x82: {  	_ =	shalt  }
0x83: {  	_ =	shalt  }
0x84: {  	_ =	shalt  }
0x85: {  	_ =	shalt  }
0x86: {  	_ =	shalt  }
0x87: {  	_ =	shalt  }
.Lfunc_end0:
.L_simem_size_0:
called_computation_lowered:
.L_overlay_start_0:
0x88: {  	s2 =	sld [smem:$0x3FD9]  }
0x89: {  	s3 =	sld [smem:$0x3FFE];
	_ =	sdelay $0x1  }
0x8a: {  	s1 =	srdreg.scid  }
0x8b: {  	s0 =	sand.u32 $0x1, s1  }
0x8c: {  	s17 =	sshll.u32 s0, $0xA;
	s2 =	sadd.s32 s3, s2  }
0x8d: {  	s2 =	sadd.s32 s2, s17  }
0x8e: {  	[smem:$0x3FC6] =	sst s2  }
0x8f: {  	_ = 	snop  }
0x90: {  	s2 =	sld [smem:$0x3FC8]  }
0x91: {  	s18 =	sld [smem:$0x3FD0];
	(tm) =	ssettm $0x1  }
0x92: {  	s4 =	sld [smem:$0x3FFB];
	_ =	sdelay $0x3  }
0x93: {  	_ =	strace s4  }
0x94: {  	s4 =	sld [smem:$0x3FFC];
	_ =	sdelay $0x3  }
0x95: {  	_ =	strace s4  }
0x96: {  	s4 =	sld [smem:$0x3FFD];
	_ =	sdelay $0x3  }
0x97: {  	_ =	strace s4  }
0x98: {  	_ =	strace $0x8FFFFFFF  }
0x99: {  	s19 =	sld [smem:$0x3FDB];
	_ =	sdelay $0x1  }
0x9a: {  	s5 =	simm.s32 $_scs_section_size  }
0x9b: {  	s6 =	simm.s32 $_size__tile_overlayer_lowered;
	s7 =	simm.s32 $_tile_overlayer_lowered  }
0x9c: {  	s22 =	simm.s32 $0x1BFF;
	s21 =	sshll.u32 s7, $0x1;
	s4 =	sadd.s32 s5, s19  }
0x9d: {  	s8 =	simm.s32 $0x0;
	s20 =	sshll.u32 s6, $0x1;
	s6 =	sadd.s32 s21, s4  }
0x9e: {  	[timem:s8], [sflag:s22] =	dma.local [hbm:s6], s20  }
0x9f: {  	_ =	swait.ge [sflag:s22], s20  }
0xa0: {  	s5 =	ssub.s32 $0x0, s20;
	[sflag:s22] =	ssyncset.done $0x0  }
0xa1: {  	[sflag:s22] =	ssyncadd.s32 s5;
	_ =	sdelay $0x1  }
0xa2: {  	s23 =	simm.s32 $0x1B8B  }
0xa3: {  	_ =	swait.ge [sflag:s23], $0x1  }
0xa4: {  	[sflag:s23] =	ssyncset.done $0x0  }
0xa5: {  	s25 =	simm.s32 $0x1B8E;
	s24 =	sld [smem:$0x3FFE];
	[sflag:s23] =	ssyncadd.s32 $0xFFFFFFFF  }
0xa6: {  	s26 =	simm.s32 $execute0_lowered;
	[smem:$0x3FD2] =	sst s25  }
0xa7: {  	s6 =	sshll.u32 s26, $0x1;
	_ =	strace $0x80000046;
	[dreg:$0x1] =	wrdreg $0xFFFFFFFF  }
0xa8: {  	s28 =	simm.s32 $_size_execute0_lowered;
	s4 =	sadd.s32 s4, s6;
	[dreg:$0x0] =	wrdreg $0x0  }
0xa9: {  	s6 =	sshll.u32 s28, $0x1;
	[dreg:$0x2] =	wrdreg s4  }
0xaa: {  	[dreg:$0x3] =	wrdreg s6  }
0xab: {  	[dreg:$0x4] =	wrdreg $0xC0  }
0xac: {  	_ =	task [dreg:s8], $0x5FFFF  }
0xad: {  	[dreg:$0x1] =	wrdreg $0xFFFFFFFF  }
0xae: {  	[dreg:$0x0] =	wrdreg $0x60  }
0xaf: {  	[dreg:$0x2] =	wrdreg s24  }
0xb0: {  	[dreg:$0x3] =	wrdreg s2  }
0xb1: {  	[dreg:$0x4] =	wrdreg s18  }
0xb2: {  	[dreg:$0x5] =	wrdreg $0x9  }
0xb3: {  	_ =	task.clear_ibuf [dreg:s8], $0x6FFFF;
	_ =	strace $0x90000046  }
0xb4: {  	s29 =	simm.s32 $0x9;
	_ =	strace $0x80000048  }
0xb5: {  	_ =	swait.ge [sflag:s29], $0x1  }
0xb6: {  	[sflag:s29] =	ssyncadd.s32 $0xFFFFFFFF  }
0xb7: {  	_ =	strace $0x90000048  }
0xb8: {  	_ =	sfence  }
0xb9: {  	s30 =	sld [smem:$0x0];
	_ =	sdelay $0x2  }
0xba: {  	s31 =	sshll.u32 s1, $0xD;
	s1 =	sshrl.u32 s1, $0x2  }
0xbb: {  	s3 =	sand.u32 $0x4000, s31;
	s1 =	sadd.s32 s1, s30  }
0xbc: {  	s0 =	sor.u32 s3, s0;
	s1 =	sshll.u32 s1, $0x11  }
0xbd: {  	s0 =	sor.u32 s1, s0  }
0xbe: {  	s0 =	sadd.s32 $0x8F2B, s0  }
0xbf: {  	[sflag:s0] =	ssyncadd.remote.s32 $0x1  }
0xc0: {  	_ =	sfence.sel $0xFFFF  }
0xc1: {  	[dreg:$0x0] =	wrdreg $0xFFFFFFFF;
	(pc) =	sbr.abs _section_cstart, $3  }
0xc2: {  	[dreg:$0x1] =	wrdreg $0xFFFFFFFF  }
0xc3: {  	_ =	task.clear_ibuf [dreg:s8], $0x2FFFF;
	_ =	strace $0x9FFFFFFF  }
0xc4: {  	(tm) =	ssettm $0x7FFFFFFF  }
0xc5: {  	_ =	shalt  }
tec
execute0_lowered:
.L_overlay_start_1:
0x0: {  	(tag) =	ssettag $0x1  }
0x1: {  	s1 =	srdreg.scid;
	s6 =	rddreg [dreg:$0x0]  }
0x2: {  	s0 =	stileid.u32;
	s2 =	rddreg [dreg:$0x1]  }
0x3: {  	s3 =	rddreg [dreg:$0x2];
	s5 =	simm.s32 $0x0;
	s9 =	simm.s32 $0x80  }
0x4: {  	s11 =	simm.s32 $0x1900;
	s10 =	simm.s32 $0x1;
	s12 =	simm.s32 $0x5900  }
0x5: {  	s13 =	simm.s32 $0x9900;
	s14 =	simm.s32 $0xD900;
	s15 =	simm.s32 $0x6  }
0x6: {  	s16 =	simm.s32 $0x7;
	s17 =	simm.s32 $0x8;
	s18 =	simm.s32 $0x9  }
0x7: {  	s19 =	simm.s32 $0xA;
	s7 =	sand.u32 $0x1, s1;
	s29 =	sshll.u32 s0, $0x1  }
0x8: {  	s20 =	simm.s32 $0x0;
	[smem:$0x7FF] =	sst s5;
	s1 =	sor.u32 s7, s29  }
0x9: {  	s7 =	ssub.s32 $0x2, s7;
	_ =	strace $0x80000047;
	[dreg:$0x4] =	wrdreg s9  }
0xa: {  	s9 =	simm.s32 $0x11900;
	[dreg:$0x5] =	wrdreg s11;
	s4 =	smul.u32 $0x1900, s1  }
0xb: {  	s11 =	simm.s32 $0x2;
	[dreg:$0x6] =	wrdreg s12;
	s12 =	simm.s32 $0x3  }
0xc: {  	[dreg:$0x7] =	wrdreg s13;
	s13 =	simm.s32 $0x4;
	s8 =	sshrl.u32 s4, $0x3  }
0xd: {  	[dreg:$0x8] =	wrdreg s14;
	s30 =	sshrl.u32 s7, $0x1;
	s6 =	sadd.s32 s8, s6  }
0xe: {  	s14 =	simm.s32 $0x5;
	s7 =	ssub.s32 s7, s30;
	s31 =	sadd.s32 $0x400, s6  }
0xf: {  	s7 =	smax.u32 s7, $0x1;
	s8 =	simm.s32 $0xB;
	[dreg:$0x9] =	wrdreg s31  }
.LBB2_1:
0x10: {  	s0 =	rddreg [dreg:$0x9]  }
0x11: {  	[tilespmem:s5], [sflag:$0xB] =	stream.linear.gather [hbm4b:s0+s5], $0x1900, $0x38;
	[tilespmem:$0x15900] =	vst v63  }
0x12: {  	_ =	swait.ge [sflag:s8], $0x1900  }
0x13: {  	p0 =	por $0x0, $0x0;
	[sflag:s8] =	ssyncset.done $0x0  }
0x14: {  	s21 =	simm.s32 @p0 $0x6;
	[sflag:s8] =	ssyncadd.s32 $0xFFFFE700  }
0x15: {  	_ =	swait.ge @p0 [sflag:s21], $0x4000  }
0x16: {  	s22 =	simm.s32 @p0 $0x0;
	s23 =	simm.s32 @p0 $0x80;
	[sflag:s21] =	ssyncset.done @p0 $0x0  }
0x17: {  	s24 =	simm.s32 @p0 $0x7;
	[sflag:s21] =	ssyncadd.s32 @p0 $0xFFFFC000;
	s21 =	simm.s32 @p0 $0x1900  }
0x18: {  	[tilespmem:s21], [sflag:$0x1] =	stream.indirect.gather @p0 [hbm4b:s2+s23], $0x80, s22, s23, $0xb8;
	[tilespmem:$0x15900] =	vst v63  }
0x19: {  	_ =	swait.ge @p0 [sflag:s24], $0x4000  }
0x1a: {  	s21 =	simm.s32 @p0 $0x80;
	[sflag:s24] =	ssyncset.done @p0 $0x0  }
0x1b: {  	s22 =	simm.s32 @p0 $0x5900;
	[sflag:s24] =	ssyncadd.s32 @p0 $0xFFFFC000;
	s24 =	simm.s32 @p0 $0x8  }
0x1c: {  	[tilespmem:s22], [sflag:$0x2] =	stream.indirect.gather @p0 [hbm4b:s2+s23], $0x80, s21, s23, $0xb8;
	[tilespmem:$0x15900] =	vst v63  }
0x1d: {  	_ =	swait.ge @p0 [sflag:s24], $0x4000  }
0x1e: {  	s21 =	simm.s32 @p0 $0x100;
	[sflag:s24] =	ssyncset.done @p0 $0x0  }
0x1f: {  	s22 =	simm.s32 @p0 $0x9900;
	[sflag:s24] =	ssyncadd.s32 @p0 $0xFFFFC000;
	s24 =	simm.s32 @p0 $0x9  }
0x20: {  	[tilespmem:s22], [sflag:$0x3] =	stream.indirect.gather @p0 [hbm4b:s2+s23], $0x80, s21, s23, $0xb8;
	[tilespmem:$0x15900] =	vst v63  }
0x21: {  	_ =	swait.ge @p0 [sflag:s24], $0x4000  }
0x22: {  	s25 =	simm.s32 @p0 $0xA;
	[sflag:s24] =	ssyncset.done @p0 $0x0  }
0x23: {  	s21 =	simm.s32 $0x180;
	s22 =	simm.s32 @p0 $0xD900;
	[sflag:s24] =	ssyncadd.s32 @p0 $0xFFFFC000  }
0x24: {  	[tilespmem:s22], [sflag:$0x4] =	stream.indirect.gather @p0 [hbm4b:s2+s23], $0x80, s21, s23, $0xb8;
	[tilespmem:$0x15900] =	vst v63  }
0x25: {  	_ =	swait.ge @p0 [sflag:s25], $0x4000  }
0x26: {  	s21 =	simm.s32 @!p0 $0x80;
	[sflag:s25] =	ssyncset.done @p0 $0x0  }
0x27: {  	s22 =	simm.s32 @!p0 $0x0;
	s23 =	simm.s32 @!p0 $0x1900;
	[sflag:s25] =	ssyncadd.s32 @p0 $0xFFFFC000  }
0x28: {  	[tilespmem:s23], [sflag:$0x1] =	stream.indirect.gather @!p0 [hbm4b:s2+s21], $0x80, s22, s21, $0xb8;
	[tilespmem:$0x15900] =	vst v63  }
0x29: {  	s23 =	simm.s32 @!p0 $0x5900  }
0x2a: {  	[tilespmem:s23], [sflag:$0x2] =	stream.indirect.gather @!p0 [hbm4b:s2+s21], $0x80, s21, s21, $0xb8;
	[tilespmem:$0x15900] =	vst v63  }
0x2b: {  	s24 =	simm.s32 @!p0 $0x9900;
	s22 =	simm.s32 @p0 $0x0;
	s23 =	simm.s32 @!p0 $0x100  }
0x2c: {  	[tilespmem:s24], [sflag:$0x3] =	stream.indirect.gather @!p0 [hbm4b:s2+s21], $0x80, s23, s21, $0xb8;
	[tilespmem:$0x15900] =	vst v63  }
0x2d: {  	s22 =	simm.s32 @!p0 $0x0;
	s23 =	simm.s32 @!p0 $0x180;
	s24 =	simm.s32 @!p0 $0xD900  }
0x2e: {  	[tilespmem:s24], [sflag:$0x4] =	stream.indirect.gather @!p0 [hbm4b:s2+s21], $0x80, s23, s21, $0xb8;
	[tilespmem:$0x15900] =	vst v63  }
0x2f: {  	s29 =	rddreg [dreg:$0x4];
	s30 =	sadd.s32 s4, s22;
	s24 =	sadd.s32 $0x200, s22  }
0x30: {  	[tilespmem:s9], [sflag:$0x5] =	stream.indirect.gather [hbm4b:s2+s29], $0x80, s24, s29, $0xb8;
	[tilespmem:$0x15900] =	vst v63  }
0x31: {  	s21 =	sshll.u32 s30, $0x4;
	s23 =	simm.s32 @p0 $0x80;
	_ =	swait.ge [sflag:s10], $0x4000  }
0x32: {  	s22 =	simm.s32 $0x400;
	s21 =	sadd.s32 s3, s21;
	[sflag:s10] =	ssyncset.done $0x0  }
0x33: {  	s23 =	simm.s32 @!p0 $0x80;
	s0 =	rddreg [dreg:$0x5];
	[sflag:s10] =	ssyncadd.s32 $0xFFFFC000  }
0x34: {  	[hbm4b:s21+s5] =	stream.linear.scatter [tilespmem:s0], [sflag:$0x6], $0x4000, $0x38;
	[tilespmem:$0x15900] =	vst v63  }
0x35: {  	s1 =	sadd.s32 s4, s23;
	s23 =	simm.s32 @p0 $0x100;
	_ =	swait.ge [sflag:s11], $0x4000  }
0x36: {  	s23 =	simm.s32 @!p0 $0x100;
	s21 =	sshll.u32 s1, $0x4;
	[sflag:s11] =	ssyncset.done $0x0  }
0x37: {  	s21 =	sadd.s32 s3, s21;
	s6 =	rddreg [dreg:$0x6];
	[sflag:s11] =	ssyncadd.s32 $0xFFFFC000  }
0x38: {  	[hbm4b:s21+s5] =	stream.linear.scatter [tilespmem:s6], [sflag:$0x7], $0x4000, $0x38;
	[tilespmem:$0x15900] =	vst v63  }
0x39: {  	s25 =	sadd.s32 s4, s23;
	s23 =	simm.s32 $0x180;
	_ =	swait.ge [sflag:s12], $0x4000  }
0x3a: {  	s23 =	simm.s32 @!p0 $0x180;
	s21 =	sshll.u32 s25, $0x4;
	[sflag:s12] =	ssyncset.done $0x0  }
0x3b: {  	s21 =	sadd.s32 s3, s21;
	s26 =	rddreg [dreg:$0x7];
	[sflag:s12] =	ssyncadd.s32 $0xFFFFC000  }
0x3c: {  	[hbm4b:s21+s5] =	stream.linear.scatter [tilespmem:s26], [sflag:$0x8], $0x4000, $0x38;
	[tilespmem:$0x15900] =	vst v63  }
0x3d: {  	s30 =	sadd.s32 s4, s24;
	s28 =	sadd.s32 s4, s23;
	_ =	swait.ge [sflag:s13], $0x4000  }
0x3e: {  	s31 =	sshll.u32 s30, $0x4;
	s21 =	sshll.u32 s28, $0x4;
	[sflag:s13] =	ssyncset.done $0x0  }
0x3f: {  	s21 =	sadd.s32 s3, s21;
	s29 =	rddreg [dreg:$0x8];
	[sflag:s13] =	ssyncadd.s32 $0xFFFFC000  }
0x40: {  	[hbm4b:s21+s5] =	stream.linear.scatter [tilespmem:s29], [sflag:$0x9], $0x4000, $0x38;
	[tilespmem:$0x15900] =	vst v63  }
0x41: {  	p0 =	por $0x1, $0x1;
	s23 =	simm.s32 $0x680;
	s21 =	simm.s32 $0x400  }
.LBB2_2:
0x42: {  	_ =	swait.ge [sflag:s14], $0x4000  }
0x43: {  	s26 =	simm.s32 @p0 $0x6;
	s24 =	sadd.s32 @p0 $0xFFFFFE80, s21;
	[sflag:s14] =	ssyncset.done $0x0  }
0x44: {  	s25 =	sadd.s32 s3, s31;
	s24 =	simm.s32 @!p0 $0x0;
	[sflag:s14] =	ssyncadd.s32 $0xFFFFC000  }
0x45: {  	[hbm4b:s25+s5] =	stream.linear.scatter [tilespmem:s9], [sflag:$0xA], $0x4000, $0x38;
	[tilespmem:$0x15900] =	vst v63  }
0x46: {  	s31 =	sadd.s32 @p0 $0xFFFFFE80, s22;
	s30 =	sadd.s32 s4, s24;
	_ =	swait.ge @p0 [sflag:s26], $0x4000  }
0x47: {  	s1 =	simm.s32 @p0 $0x80;
	s25 =	sshll.u32 s30, $0x4;
	[sflag:s26] =	ssyncset.done @p0 $0x0  }
0x48: {  	s30 =	simm.s32 @p0 $0x7;
	[sflag:s26] =	ssyncadd.s32 @p0 $0xFFFFC000;
	s26 =	simm.s32 @p0 $0x1900  }
0x49: {  	[tilespmem:s26], [sflag:$0x1] =	stream.indirect.gather @p0 [hbm4b:s2+s1], $0x80, s31, s1, $0xb8;
	[tilespmem:$0x15900] =	vst v63  }
0x4a: {  	s28 =	sadd.s32 @p0 $0xFFFFFF00, s21;
	s0 =	simm.s32 @p0 $0x5900;
	_ =	swait.ge @p0 [sflag:s30], $0x4000  }
0x4b: {  	s28 =	simm.s32 @!p0 $0x80;
	s31 =	sadd.s32 @p0 $0xFFFFFF00, s22;
	[sflag:s30] =	ssyncset.done @p0 $0x0  }
0x4c: {  	s26 =	sadd.s32 s4, s28;
	s28 =	simm.s32 @p0 $0x8;
	[sflag:s30] =	ssyncadd.s32 @p0 $0xFFFFC000  }
0x4d: {  	[tilespmem:s0], [sflag:$0x2] =	stream.indirect.gather @p0 [hbm4b:s2+s1], $0x80, s31, s1, $0xb8;
	[tilespmem:$0x15900] =	vst v63  }
0x4e: {  	_ =	swait.ge @p0 [sflag:s28], $0x4000  }
0x4f: {  	s30 =	simm.s32 @p0 $0x9900;
	[sflag:s28] =	ssyncset.done @p0 $0x0  }
0x50: {  	s0 =	sadd.s32 @p0 $0xFFFFFF80, s22;
	[sflag:s28] =	ssyncadd.s32 @p0 $0xFFFFC000;
	s28 =	simm.s32 @p0 $0x9  }
0x51: {  	[tilespmem:s30], [sflag:$0x3] =	stream.indirect.gather @p0 [hbm4b:s2+s1], $0x80, s0, s1, $0xb8;
	[tilespmem:$0x15900] =	vst v63  }
0x52: {  	s6 =	sadd.s32 @p0 $0xFFFFFF80, s21;
	_ =	swait.ge @p0 [sflag:s28], $0x4000  }
0x53: {  	s6 =	simm.s32 @!p0 $0x100;
	[sflag:s28] =	ssyncset.done @p0 $0x0  }
0x54: {  	s31 =	simm.s32 @p0 $0xA;
	s0 =	simm.s32 @p0 $0xD900;
	[sflag:s28] =	ssyncadd.s32 @p0 $0xFFFFC000  }
0x55: {  	[tilespmem:s0], [sflag:$0x4] =	stream.indirect.gather @p0 [hbm4b:s2+s1], $0x80, s22, s1, $0xb8;
	[tilespmem:$0x15900] =	vst v63  }
0x56: {  	s6 =	sadd.s32 s4, s6;
	_ =	swait.ge @p0 [sflag:s31], $0x4000  }
0x57: {  	s30 =	sshll.u32 s6, $0x4;
	s6 =	simm.s32 @!p0 $0x1900;
	[sflag:s31] =	ssyncset.done @p0 $0x0  }
0x58: {  	s0 =	simm.s32 @!p0 $0x80;
	s1 =	simm.s32 @!p0 $0x0;
	[sflag:s31] =	ssyncadd.s32 @p0 $0xFFFFC000  }
0x59: {  	[tilespmem:s6], [sflag:$0x1] =	stream.indirect.gather @!p0 [hbm4b:s2+s0], $0x80, s1, s0, $0xb8;
	[tilespmem:$0x15900] =	vst v63  }
0x5a: {  	s29 =	smov.u32 s23;
	s21 =	simm.s32 @!p0 $0x180;
	s1 =	simm.s32 @!p0 $0x5900  }
0x5b: {  	[tilespmem:s1], [sflag:$0x2] =	stream.indirect.gather @!p0 [hbm4b:s2+s0], $0x80, s0, s0, $0xb8;
	[tilespmem:$0x15900] =	vst v63  }
0x5c: {  	s21 =	sadd.s32 s4, s21;
	s6 =	simm.s32 @!p0 $0x9900;
	s1 =	simm.s32 @!p0 $0x100  }
0x5d: {  	[tilespmem:s6], [sflag:$0x3] =	stream.indirect.gather @!p0 [hbm4b:s2+s0], $0x80, s1, s0, $0xb8;
	[tilespmem:$0x15900] =	vst v63  }
0x5e: {  	s28 =	sshll.u32 s21, $0x4;
	s1 =	simm.s32 @!p0 $0x180;
	s6 =	simm.s32 @!p0 $0xD900  }
0x5f: {  	[tilespmem:s6], [sflag:$0x4] =	stream.indirect.gather @!p0 [hbm4b:s2+s0], $0x80, s1, s0, $0xb8;
	[tilespmem:$0x15900] =	vst v63  }
0x60: {  	s21 =	smov.u32 s29;
	s29 =	rddreg [dreg:$0x4];
	s6 =	sadd.s32 $0x200, s24  }
0x61: {  	[tilespmem:s9], [sflag:$0x5] =	stream.indirect.gather [hbm4b:s2+s29], $0x80, s6, s29, $0xb8;
	[tilespmem:$0x15900] =	vst v63  }
0x62: {  	_ =	swait.ge [sflag:s10], $0x4000  }
0x63: {  	[sflag:s10] =	ssyncset.done $0x0  }
0x64: {  	s29 =	sadd.s32 s3, s25;
	s24 =	rddreg [dreg:$0x5];
	[sflag:s10] =	ssyncadd.s32 $0xFFFFC000  }
0x65: {  	[hbm4b:s29+s5] =	stream.linear.scatter [tilespmem:s24], [sflag:$0x6], $0x4000, $0x38;
	[tilespmem:$0x15900] =	vst v63  }
0x66: {  	_ =	swait.ge [sflag:s11], $0x4000  }
0x67: {  	s26 =	sshll.u32 s26, $0x4;
	s0 =	sadd.s32 s4, s6;
	[sflag:s11] =	ssyncset.done $0x0  }
0x68: {  	s24 =	sadd.s32 s3, s26;
	s6 =	rddreg [dreg:$0x6];
	[sflag:s11] =	ssyncadd.s32 $0xFFFFC000  }
0x69: {  	[hbm4b:s24+s5] =	stream.linear.scatter [tilespmem:s6], [sflag:$0x7], $0x4000, $0x38;
	[tilespmem:$0x15900] =	vst v63  }
0x6a: {  	s23 =	sadd.s32 $0x280, s23;
	_ =	swait.ge [sflag:s12], $0x4000  }
0x6b: {  	p1 =	sne.s32 s23, $0x1A80;
	[sflag:s12] =	ssyncset.done $0x0  }
0x6c: {  	s26 =	sadd.s32 s3, s30;
	s25 =	rddreg [dreg:$0x7];
	[sflag:s12] =	ssyncadd.s32 $0xFFFFC000  }
0x6d: {  	[hbm4b:s26+s5] =	stream.linear.scatter [tilespmem:s25], [sflag:$0x8], $0x4000, $0x38;
	[tilespmem:$0x15900] =	vst v63  }
.Ltmp0:
0x6e: {  	_ = 	snop;
	(pc) =	sbr.rel @p1 .LBB2_2-.Ltmp0, $4  }
0x6f: {  	s22 =	sadd.s32 $0x280, s22;
	_ =	swait.ge [sflag:s13], $0x4000  }
0x70: {  	p0 =	sne.s32 s21, $0x180;
	s31 =	sshll.u32 s0, $0x4;
	[sflag:s13] =	ssyncset.done $0x0  }
0x71: {  	s30 =	sadd.s32 s3, s28;
	s29 =	rddreg [dreg:$0x8];
	[sflag:s13] =	ssyncadd.s32 $0xFFFFC000  }
0x72: {  	[hbm4b:s30+s5] =	stream.linear.scatter [tilespmem:s29], [sflag:$0x9], $0x4000, $0x38;
	[tilespmem:$0x15900] =	vst v63  }
0x73: {  	_ =	swait.ge [sflag:s14], $0x4000  }
0x74: {  	[sflag:s14] =	ssyncset.done $0x0  }
0x75: {  	s0 =	simm.s32 @p0 $0x6;
	s1 =	sadd.s32 s3, s31;
	[sflag:s14] =	ssyncadd.s32 $0xFFFFC000  }
0x76: {  	[hbm4b:s1+s5] =	stream.linear.scatter [tilespmem:s9], [sflag:$0xA], $0x4000, $0x38;
	[tilespmem:$0x15900] =	vst v63  }
0x77: {  	_ =	swait.ge @p0 [sflag:s0], $0x4000  }
0x78: {  	s6 =	simm.s32 @p0 $0x80;
	[sflag:s0] =	ssyncset.done @p0 $0x0  }
0x79: {  	s1 =	sadd.s32 @p0 $0xFFFFFE80, s22;
	[sflag:s0] =	ssyncadd.s32 @p0 $0xFFFFC000;
	s0 =	simm.s32 @p0 $0x1900  }
0x7a: {  	[tilespmem:s0], [sflag:$0x1] =	stream.indirect.gather @p0 [hbm4b:s2+s6], $0x80, s1, s6, $0xb8;
	[tilespmem:$0x15900] =	vst v63  }
0x7b: {  	s0 =	simm.s32 @p0 $0x7  }
0x7c: {  	_ =	swait.ge @p0 [sflag:s0], $0x4000  }
0x7d: {  	[sflag:s0] =	ssyncset.done @p0 $0x0  }
0x7e: {  	s1 =	sadd.s32 @p0 $0xFFFFFF00, s22;
	[sflag:s0] =	ssyncadd.s32 @p0 $0xFFFFC000;
	s0 =	simm.s32 @p0 $0x5900  }
0x7f: {  	[tilespmem:s0], [sflag:$0x2] =	stream.indirect.gather @p0 [hbm4b:s2+s6], $0x80, s1, s6, $0xb8;
	[tilespmem:$0x15900] =	vst v63  }
0x80: {  	s0 =	simm.s32 @p0 $0x8  }
0x81: {  	_ =	swait.ge @p0 [sflag:s0], $0x4000  }
0x82: {  	[sflag:s0] =	ssyncset.done @p0 $0x0  }
0x83: {  	s1 =	sadd.s32 @p0 $0xFFFFFF80, s22;
	[sflag:s0] =	ssyncadd.s32 @p0 $0xFFFFC000;
	s0 =	simm.s32 @p0 $0x9900  }
0x84: {  	[tilespmem:s0], [sflag:$0x3] =	stream.indirect.gather @p0 [hbm4b:s2+s6], $0x80, s1, s6, $0xb8;
	[tilespmem:$0x15900] =	vst v63  }
0x85: {  	s0 =	simm.s32 @p0 $0x9  }
0x86: {  	_ =	swait.ge @p0 [sflag:s0], $0x4000  }
0x87: {  	[sflag:s0] =	ssyncset.done @p0 $0x0  }
0x88: {  	[sflag:s0] =	ssyncadd.s32 @p0 $0xFFFFC000;
	s0 =	simm.s32 @p0 $0xD900  }
0x89: {  	[tilespmem:s0], [sflag:$0x4] =	stream.indirect.gather @p0 [hbm4b:s2+s6], $0x80, s22, s6, $0xb8;
	[tilespmem:$0x15900] =	vst v63  }
0x8a: {  	s0 =	simm.s32 @p0 $0xA  }
0x8b: {  	_ =	swait.ge @p0 [sflag:s0], $0x4000  }
0x8c: {  	s1 =	simm.s32 @!p0 $0x80;
	[sflag:s0] =	ssyncset.done @p0 $0x0  }
0x8d: {  	s6 =	simm.s32 @!p0 $0x0;
	[sflag:s0] =	ssyncadd.s32 @p0 $0xFFFFC000;
	s0 =	simm.s32 @!p0 $0x1900  }
0x8e: {  	[tilespmem:s0], [sflag:$0x1] =	stream.indirect.gather @!p0 [hbm4b:s2+s1], $0x80, s6, s1, $0xb8;
	[tilespmem:$0x15900] =	vst v63  }
0x8f: {  	s0 =	simm.s32 @!p0 $0x5900  }
0x90: {  	[tilespmem:s0], [sflag:$0x2] =	stream.indirect.gather @!p0 [hbm4b:s2+s1], $0x80, s1, s1, $0xb8;
	[tilespmem:$0x15900] =	vst v63  }
0x91: {  	s6 =	simm.s32 @!p0 $0x9900;
	s0 =	simm.s32 @!p0 $0x100  }
0x92: {  	[tilespmem:s6], [sflag:$0x3] =	stream.indirect.gather @!p0 [hbm4b:s2+s1], $0x80, s0, s1, $0xb8;
	[tilespmem:$0x15900] =	vst v63  }
0x93: {  	s0 =	simm.s32 @!p0 $0x180;
	s6 =	simm.s32 @!p0 $0xD900  }
0x94: {  	[tilespmem:s6], [sflag:$0x4] =	stream.indirect.gather @!p0 [hbm4b:s2+s1], $0x80, s0, s1, $0xb8;
	[tilespmem:$0x15900] =	vst v63  }
0x95: {  	s0 =	sadd.s32 @p0 $0xFFFFFE80, s21  }
0x96: {  	s0 =	simm.s32 @!p0 $0x0  }
0x97: {  	s23 =	rddreg [dreg:$0x4];
	s24 =	sadd.s32 $0x200, s0  }
0x98: {  	[tilespmem:s9], [sflag:$0x5] =	stream.indirect.gather [hbm4b:s2+s23], $0x80, s24, s23, $0xb8;
	[tilespmem:$0x15900] =	vst v63  }
0x99: {  	s0 =	sadd.s32 s4, s0;
	_ =	swait.ge [sflag:s10], $0x4000  }
0x9a: {  	s0 =	sshll.u32 s0, $0x4;
	[sflag:s10] =	ssyncset.done $0x0  }
0x9b: {  	s0 =	sadd.s32 s3, s0;
	s25 =	rddreg [dreg:$0x5];
	[sflag:s10] =	ssyncadd.s32 $0xFFFFC000  }
0x9c: {  	[hbm4b:s0+s5] =	stream.linear.scatter [tilespmem:s25], [sflag:$0x6], $0x4000, $0x38;
	[tilespmem:$0x15900] =	vst v63  }
0x9d: {  	s0 =	sadd.s32 @p0 $0xFFFFFF00, s21  }
0x9e: {  	s0 =	simm.s32 @!p0 $0x80  }
0x9f: {  	_ =	swait.ge [sflag:s11], $0x4000;
	s0 =	sadd.s32 s4, s0  }
0xa0: {  	[sflag:s11] =	ssyncset.done $0x0;
	s0 =	sshll.u32 s0, $0x4  }
0xa1: {  	s26 =	rddreg [dreg:$0x6];
	[sflag:s11] =	ssyncadd.s32 $0xFFFFC000;
	s0 =	sadd.s32 s3, s0  }
0xa2: {  	[hbm4b:s0+s5] =	stream.linear.scatter [tilespmem:s26], [sflag:$0x7], $0x4000, $0x38;
	[tilespmem:$0x15900] =	vst v63  }
0xa3: {  	s0 =	sadd.s32 @p0 $0xFFFFFF80, s21  }
0xa4: {  	s0 =	simm.s32 @!p0 $0x100  }
0xa5: {  	_ =	swait.ge [sflag:s12], $0x4000;
	s0 =	sadd.s32 s4, s0  }
0xa6: {  	s21 =	simm.s32 @!p0 $0x180;
	[sflag:s12] =	ssyncset.done $0x0;
	s0 =	sshll.u32 s0, $0x4  }
0xa7: {  	s28 =	rddreg [dreg:$0x7];
	[sflag:s12] =	ssyncadd.s32 $0xFFFFC000;
	s0 =	sadd.s32 s3, s0  }
0xa8: {  	[hbm4b:s0+s5] =	stream.linear.scatter [tilespmem:s28], [sflag:$0x8], $0x4000, $0x38;
	[tilespmem:$0x15900] =	vst v63  }
0xa9: {  	s29 =	sadd.s32 s4, s21;
	_ =	swait.ge [sflag:s13], $0x4000  }
0xaa: {  	s0 =	sshll.u32 s29, $0x4;
	[sflag:s13] =	ssyncset.done $0x0  }
0xab: {  	s0 =	sadd.s32 s3, s0;
	s30 =	rddreg [dreg:$0x8];
	[sflag:s13] =	ssyncadd.s32 $0xFFFFC000  }
0xac: {  	[hbm4b:s0+s5] =	stream.linear.scatter [tilespmem:s30], [sflag:$0x9], $0x4000, $0x38;
	[tilespmem:$0x15900] =	vst v63  }
0xad: {  	s31 =	sadd.s32 s4, s24;
	_ =	swait.ge [sflag:s14], $0x4000  }
0xae: {  	s0 =	sshll.u32 s31, $0x4;
	[sflag:s14] =	ssyncset.done $0x0  }
0xaf: {  	s0 =	sadd.s32 s3, s0;
	[sflag:s14] =	ssyncadd.s32 $0xFFFFC000  }
0xb0: {  	[hbm4b:s0+s5] =	stream.linear.scatter [tilespmem:s9], [sflag:$0xA], $0x4000, $0x38;
	[tilespmem:$0x15900] =	vst v63  }
0xb1: {  	_ =	swait.ge [sflag:s15], $0x4000  }
0xb2: {  	[sflag:s15] =	ssyncset.done $0x0  }
0xb3: {  	[sflag:s15] =	ssyncadd.s32 $0xFFFFC000  }
0xb4: {  	_ =	swait.ge [sflag:s16], $0x4000  }
0xb5: {  	[sflag:s16] =	ssyncset.done $0x0  }
0xb6: {  	[sflag:s16] =	ssyncadd.s32 $0xFFFFC000  }
0xb7: {  	_ =	swait.ge [sflag:s17], $0x4000  }
0xb8: {  	[sflag:s17] =	ssyncset.done $0x0  }
0xb9: {  	s20 =	sadd.s32 $0x1, s20;
	[sflag:s17] =	ssyncadd.s32 $0xFFFFC000  }
0xba: {  	p0 =	sne.s32 s20, s7;
	_ =	swait.ge [sflag:s18], $0x4000  }
.Ltmp1:
0xbb: {  	[sflag:s18] =	ssyncset.done $0x0;
	(pc) =	sbr.rel @p0 .LBB2_1-.Ltmp1, $4  }
0xbc: {  	[sflag:s18] =	ssyncadd.s32 $0xFFFFC000  }
0xbd: {  	_ =	swait.ge [sflag:s19], $0x4000  }
0xbe: {  	[sflag:s19] =	ssyncset.done $0x0  }
0xbf: {  	[sflag:s19] =	ssyncadd.s32 $0xFFFFC000  }
0xc0: {  	_ =	sfence.sel $0x180000  }
0xc1: {  	[bflag:$0x0] =	sbarrier.arrive $0xFFFF  }
0xc2: {  	_ =	strace $0x90000047  }
0xc3: {  	s0 =	stileid.u32;
	[bflag:$0x2] =	sbarrier.arrive $0xFFFF  }
0xc4: {  	p0 =	sne.s32 s0, $0x0;
	s0 =	rddreg [dreg:$0x3]  }
0xc5: {  	s0 =	sadd.s32 @!p0 $0x100000, s0  }
0xc6: {  	[sflag:s0] =	ssyncadd.tile.s32 @!p0 $0x1;
	_ =	shalt  }
.Lfunc_end2:
_tile_overlayer_lowered:
.L_overlay_start_2:
0xc7: {  	(tag) =	ssettag $0x2  }
0xc8: {  	s0 =	rddreg [dreg:$0x0];
	s2 =	stileid.u32  }
0xc9: {  	s1 =	rddreg [dreg:$0x1];
	p0 =	sne.s32 s2, $0x0  }
0xca: {  	s3 =	rddreg [dreg:$0x2];
	[bflag:$0x3] =	sbarrier.arrive $0xFFFF;
	s2 =	simm.s32 @!p0 $0x1C0B  }
0xcb: {  	[timem:s3], [sflag:s2] =	dma.local @!p0 [hbm:s0], s1  }
0xcc: {  	s0 =	simm.s32 @!p0 $0xB  }
0xcd: {  	_ =	swait.ge @!p0 [sflag:s0], s1  }
0xce: {  	s1 =	ssub.s32 @!p0 $0x0, s1;
	[sflag:s0] =	ssyncset.done @!p0 $0x0  }
0xcf: {  	[sflag:s0] =	ssyncadd.s32 @!p0 s1  }
0xd0: {  	[bflag:$0x3] =	sbarrier.arrive $0xFFFF  }
0xd1: {  	_ =	shalt  }

</sc_bundles>
